<compile_context>
chip_gen: v7x
topology: tpu7x:2x2x1
jax: 0.10.2.dev20260603
libtpu: 0.0.44.dev20260713+nightly
codegen_flags: <defaults>
</compile_context>

<pallas_src>
import functools

import jax
import jax.numpy as jnp
from jax import lax
from jax.experimental import pallas as pl
from jax.experimental.pallas import tpu as pltpu
from jax.experimental.pallas import tpu_sc as plsc

D_MODEL = 4096
NUM_CORES = 2
NUM_SUBCORES = 16
NUM_WORKERS = NUM_CORES * NUM_SUBCORES
CHUNK = 8
NBUF = 2


def _emb_body(n_chunks, b_per_w, idx_hbm, table_hbm, out_hbm, idx_v, rows_v, gsem):
    wid = lax.axis_index("s") * NUM_CORES + lax.axis_index("c")
    base = wid * b_per_w
    seq = idx_hbm.shape[1]
    per_row = seq // b_per_w

    def gather(j, b):
        pltpu.async_copy(
            table_hbm.at[idx_v.at[pl.ds(j * CHUNK, CHUNK)]], rows_v.at[b], gsem.at[b]
        )

    def gwait(b):
        pltpu.make_async_copy(
            table_hbm.at[idx_v.at[pl.ds(0, CHUNK)]], rows_v.at[b], gsem.at[b]
        ).wait()

    def writeback(j, b):
        pltpu.sync_copy(rows_v.at[b], out_hbm.at[pl.ds(base + j * CHUNK, CHUNK)])

    pltpu.sync_copy(
        idx_hbm.at[wid // per_row, pl.ds((wid % per_row) * b_per_w, b_per_w)],
        idx_v,
    )

    gather(0, 0)
    gather(1, 1)

    @pl.loop(0, n_chunks - NBUF)
    def _main(j):
        b = lax.rem(j, NBUF)
        gwait(b)
        writeback(j, b)
        gather(j + NBUF, b)

    for b in range(NBUF):
        gwait(b)
        writeback(n_chunks - NBUF + b, b)


@functools.partial(jax.jit, static_argnames=("n_tokens",))
def _embed(input_ids, embed_table, n_tokens):
    b_per_w = n_tokens // NUM_WORKERS
    n_chunks = b_per_w // CHUNK
    assert n_chunks % NBUF == 0 and b_per_w % CHUNK == 0
    mesh = plsc.VectorSubcoreMesh(
        core_axis_name="c",
        subcore_axis_name="s",
        num_cores=NUM_CORES,
        num_subcores=NUM_SUBCORES,
    )
    run = pl.kernel(
        functools.partial(_emb_body, n_chunks, b_per_w),
        out_type=jax.ShapeDtypeStruct((n_tokens, D_MODEL), jnp.float32),
        mesh=mesh,
        scratch_types=[
            pltpu.VMEM((b_per_w,), jnp.int32),
            pltpu.VMEM((NBUF, CHUNK, D_MODEL), jnp.float32),
            pltpu.SemaphoreType.DMA((NBUF,)),
        ],
    )
    return run(input_ids, embed_table)


def kernel(input_ids, embed_table):
    batch, seq = input_ids.shape
    out = _embed(input_ids.astype(jnp.int32), embed_table, batch * seq)
    return out.reshape(batch, seq, embed_table.shape[1])

# --- scband reference (transcript-rebuilt; emitter-appended) ---
"""Pipeline reference for scband-embedding-80126909874731 (READ-ONLY COPY).

The authoritative reference and input builder live on the scoring server;
editing this copy changes nothing except your own understanding.
"""

import jax, jax.numpy as jnp
import numpy as np

VOCAB = 32000
D_MODEL = 4096
BATCH = 4
SEQ = 2048

def setup_inputs(seed: int = 0) -> dict:
    key = jax.random.key(seed)
    k_idx, k_tab = jax.random.split(key)
    input_ids = jax.random.randint(k_idx, (BATCH, SEQ), 0, VOCAB, dtype=jnp.int64 if jax.config.jax_enable_x64 else jnp.int32)
    embed_table = jax.random.normal(k_tab, (VOCAB, D_MODEL), dtype=jnp.float32) * 0.02
    return {"input_ids": input_ids, "embed_table": embed_table}

def reference(input_ids, embed_table):
    # Faithful translation of transformer.embed_tokens(input_ids):
    # a plain row-gather from the embedding table.
    return jnp.take(embed_table, input_ids, axis=0)

if __name__ == "__main__":
    import jax
    _d = setup_inputs()
    print(jax.jit(kernel)(*tuple(_d.values())))

</pallas_src>

<mosaic_0001>
#map = affine_map<(d0, d1) -> (0, 0)>
module attributes {stable_mosaic.version = 14 : i64} {
  func.func @_emb_body(%arg0: i32, %arg1: i32, %arg2: memref<4x2048xi32, #tpu.memory_space<hbm>>, %arg3: memref<32000x4096xf32, #tpu.memory_space<hbm>>, %arg4: memref<8192x4096xf32, #tpu.memory_space<hbm>>, %arg5: memref<256xi32, #tpu.memory_space<vmem>>, %arg6: memref<2x8x4096xf32, #tpu.memory_space<vmem>>, %arg7: memref<2x!tpu.dma_semaphore, #tpu.memory_space<semaphore_mem>>) attributes {dimension_semantics = [#tpu.dimension_semantics<core_parallel>, #tpu.dimension_semantics<subcore_parallel>], iteration_bounds = array<i64: 2, 16>, scalar_prefetch = 0 : i64, scratch_operands = 3 : i64, tpu.core_type = #tpu.core_type<sc_vector_subcore>, window_params = [{transform_indices = #map}, {transform_indices = #map}, {transform_indices = #map}]} {
    %mul3A = arith.constant 2 : i32
    %mul3A_0 = arith.muli %arg1, %mul3A : i32
    %add3A = arith.addi %mul3A_0, %arg0 : i32
    %mul3A_1 = arith.constant 256 : i32
    %mul3A_2 = arith.muli %add3A, %mul3A_1 : i32
    %jit3A = arith.constant 8 : i32
    %div3A = arith.divsi %add3A, %jit3A : i32
    %sign3A = arith.constant 0 : i32
    %sign3A_3 = arith.cmpi sgt, %add3A, %sign3A : i32
    %sign3A_4 = arith.extui %sign3A_3 : i1 to i32
    %sign3A_5 = arith.constant 0 : i32
    %sign3A_6 = arith.cmpi slt, %add3A, %sign3A_5 : i32
    %sign3A_7 = arith.extui %sign3A_6 : i1 to i32
    %sign3A_8 = arith.subi %sign3A_4, %sign3A_7 : i32
    %sign3A_9 = arith.constant 0 : i32
    %sign3A_10 = arith.cmpi sgt, %jit3A, %sign3A_9 : i32
    %sign3A_11 = arith.extui %sign3A_10 : i1 to i32
    %sign3A_12 = arith.constant 0 : i32
    %sign3A_13 = arith.cmpi slt, %jit3A, %sign3A_12 : i32
    %sign3A_14 = arith.extui %sign3A_13 : i1 to i32
    %sign3A_15 = arith.subi %sign3A_11, %sign3A_14 : i32
    %ne3A = arith.cmpi ne, %sign3A_8, %sign3A_15 : i32
    %rem3A = arith.remsi %add3A, %jit3A : i32
    %ne3A_16 = arith.constant 0 : i32
    %ne3A_17 = arith.cmpi ne, %rem3A, %ne3A_16 : i32
    %and3A = arith.andi %ne3A, %ne3A_17 : i1
    %sub3A = arith.constant 1 : i32
    %sub3A_18 = arith.subi %div3A, %sub3A : i32
    %select_n3A = arith.select %and3A, %sub3A_18, %div3A : i32
    %jit3A_19 = arith.constant 8 : i32
    %eq3A = arith.constant 0 : i32
    %eq3A_20 = arith.cmpi eq, %jit3A_19, %eq3A : i32
    %jit3A_21 = arith.constant 1 : i32
    %select_n3A_22 = arith.select %eq3A_20, %jit3A_21, %jit3A_19 : i32
    %rem3A_23 = arith.remsi %add3A, %select_n3A_22 : i32
    %ne3A_24 = arith.constant 0 : i32
    %ne3A_25 = arith.cmpi ne, %rem3A_23, %ne3A_24 : i32
    %lt3A = arith.constant 0 : i32
    %lt3A_26 = arith.cmpi slt, %rem3A_23, %lt3A : i32
    %lt3A_27 = arith.constant 0 : i32
    %lt3A_28 = arith.cmpi slt, %select_n3A_22, %lt3A_27 : i32
    %ne3A_29 = arith.xori %lt3A_26, %lt3A_28 : i1
    %and3A_30 = arith.andi %ne3A_29, %ne3A_25 : i1
    %add3A_31 = arith.addi %rem3A_23, %select_n3A_22 : i32
    %select_n3A_32 = arith.select %and3A_30, %add3A_31, %rem3A_23 : i32
    %mul3A_33 = arith.constant 256 : i32
    %mul3A_34 = arith.muli %select_n3A_32, %mul3A_33 : i32
    "tpu.region"() ({
      %run_scoped3A_94 = tpu.sem_alloc : memref<!tpu.dma_semaphore, #tpu.memory_space<semaphore_mem>>
      %dma_start3A_95 = tpu.memref_slice %arg2[%select_n3A, %mul3A_34] : memref<4x2048xi32, #tpu.memory_space<hbm>> -> memref<1x256xi32, #tpu.memory_space<hbm>>
      %dma_start3A_96 = tpu.memref_squeeze %dma_start3A_95 : memref<1x256xi32, #tpu.memory_space<hbm>> -> memref<256xi32, #tpu.memory_space<hbm>>
      %dma_start3A_97 = tpu.memref_slice %arg2[%select_n3A, %mul3A_34] : memref<4x2048xi32, #tpu.memory_space<hbm>> -> memref<1x256xi32, #tpu.memory_space<hbm>>
      %dma_start3A_98 = tpu.memref_squeeze %dma_start3A_97 : memref<1x256xi32, #tpu.memory_space<hbm>> -> memref<256xi32, #tpu.memory_space<hbm>>
      tpu.enqueue_dma source(%dma_start3A_98 : memref<256xi32, #tpu.memory_space<hbm>>) target(%arg5 : memref<256xi32, #tpu.memory_space<vmem>>) target_semaphore(%run_scoped3A_94 : memref<!tpu.dma_semaphore, #tpu.memory_space<semaphore_mem>>)
      %dma_wait3A_99 = tpu.memref_slice %arg2[%select_n3A, %mul3A_34] : memref<4x2048xi32, #tpu.memory_space<hbm>> -> memref<1x256xi32, #tpu.memory_space<hbm>>
      %dma_wait3A_100 = tpu.memref_squeeze %dma_wait3A_99 : memref<1x256xi32, #tpu.memory_space<hbm>> -> memref<256xi32, #tpu.memory_space<hbm>>
      %dma_wait3A_101 = tpu.memref_slice %arg2[%select_n3A, %mul3A_34] : memref<4x2048xi32, #tpu.memory_space<hbm>> -> memref<1x256xi32, #tpu.memory_space<hbm>>
      %dma_wait3A_102 = tpu.memref_squeeze %dma_wait3A_101 : memref<1x256xi32, #tpu.memory_space<hbm>> -> memref<256xi32, #tpu.memory_space<hbm>>
      tpu.wait_dma2 semaphore(%run_scoped3A_94 : memref<!tpu.dma_semaphore, #tpu.memory_space<semaphore_mem>>) src(%dma_wait3A_102 : memref<256xi32, #tpu.memory_space<hbm>>) dst(%arg5 : memref<256xi32, #tpu.memory_space<vmem>>)
      tpu.yield
    }) : () -> ()
    %dma_start3A = arith.constant 0 : i32
    %dma_start3A_35 = arith.constant 0 : i32
    %dma_start3A_36 = arith.constant 0 : i32
    %dma_start3A_37 = arith.constant 0 : i32
    %dma_start3A_38 = tpu.memref_slice %arg6[%dma_start3A, %dma_start3A_36, %dma_start3A_37] : memref<2x8x4096xf32, #tpu.memory_space<vmem>> -> memref<1x8x4096xf32, #tpu.memory_space<vmem>>
    %dma_start3A_39 = tpu.memref_squeeze %dma_start3A_38 : memref<1x8x4096xf32, #tpu.memory_space<vmem>> -> memref<8x4096xf32, #tpu.memory_space<vmem>>
    %dma_start3A_40 = arith.constant 0 : i32
    %dma_start3A_41 = tpu.memref_slice %arg5[%dma_start3A_40] : memref<256xi32, #tpu.memory_space<vmem>> -> memref<8xi32, #tpu.memory_space<vmem>>
    %dma_start3A_42 = arith.constant 0 : i32
    %dma_start3A_43 = arith.constant 0 : i32
    %dma_start3A_44 = tpu.memref_slice %arg3[%dma_start3A_42, %dma_start3A_43] : memref<32000x4096xf32, #tpu.memory_space<hbm>> -> memref<32000x4096xf32, #tpu.memory_space<hbm>>
    %dma_start3A_45 = tpu.memref_slice %arg7[%dma_start3A_35] : memref<2x!tpu.dma_semaphore, #tpu.memory_space<semaphore_mem>> -> memref<1x!tpu.dma_semaphore, #tpu.memory_space<semaphore_mem>>
    %dma_start3A_46 = tpu.memref_squeeze %dma_start3A_45 : memref<1x!tpu.dma_semaphore, #tpu.memory_space<semaphore_mem>> -> memref<!tpu.dma_semaphore, #tpu.memory_space<semaphore_mem>>
    tpu.enqueue_indirect_dma source(%dma_start3A_44 : memref<32000x4096xf32, #tpu.memory_space<hbm>>) target(%dma_start3A_39 : memref<8x4096xf32, #tpu.memory_space<vmem>>) offsets(%dma_start3A_41 : memref<8xi32, #tpu.memory_space<vmem>>) semaphore(%dma_start3A_46 : memref<!tpu.dma_semaphore, #tpu.memory_space<semaphore_mem>>)
    %dma_start3A_47 = arith.constant 1 : i32
    %dma_start3A_48 = arith.constant 1 : i32
    %dma_start3A_49 = arith.constant 0 : i32
    %dma_start3A_50 = arith.constant 0 : i32
    %dma_start3A_51 = tpu.memref_slice %arg6[%dma_start3A_47, %dma_start3A_49, %dma_start3A_50] : memref<2x8x4096xf32, #tpu.memory_space<vmem>> -> memref<1x8x4096xf32, #tpu.memory_space<vmem>>
    %dma_start3A_52 = tpu.memref_squeeze %dma_start3A_51 : memref<1x8x4096xf32, #tpu.memory_space<vmem>> -> memref<8x4096xf32, #tpu.memory_space<vmem>>
    %dma_start3A_53 = arith.constant 8 : i32
    %dma_start3A_54 = tpu.memref_slice %arg5[%dma_start3A_53] : memref<256xi32, #tpu.memory_space<vmem>> -> memref<8xi32, #tpu.memory_space<vmem>>
    %dma_start3A_55 = arith.constant 0 : i32
    %dma_start3A_56 = arith.constant 0 : i32
    %dma_start3A_57 = tpu.memref_slice %arg3[%dma_start3A_55, %dma_start3A_56] : memref<32000x4096xf32, #tpu.memory_space<hbm>> -> memref<32000x4096xf32, #tpu.memory_space<hbm>>
    %dma_start3A_58 = tpu.memref_slice %arg7[%dma_start3A_48] : memref<2x!tpu.dma_semaphore, #tpu.memory_space<semaphore_mem>> -> memref<1x!tpu.dma_semaphore, #tpu.memory_space<semaphore_mem>>
    %dma_start3A_59 = tpu.memref_squeeze %dma_start3A_58 : memref<1x!tpu.dma_semaphore, #tpu.memory_space<semaphore_mem>> -> memref<!tpu.dma_semaphore, #tpu.memory_space<semaphore_mem>>
    tpu.enqueue_indirect_dma source(%dma_start3A_57 : memref<32000x4096xf32, #tpu.memory_space<hbm>>) target(%dma_start3A_52 : memref<8x4096xf32, #tpu.memory_space<vmem>>) offsets(%dma_start3A_54 : memref<8xi32, #tpu.memory_space<vmem>>) semaphore(%dma_start3A_59 : memref<!tpu.dma_semaphore, #tpu.memory_space<semaphore_mem>>)
    %scan3A = arith.constant 0 : i32
    %scan3A_60 = arith.constant 30 : i32
    %scan3A_61 = arith.addi %scan3A, %scan3A_60 : i32
    %scan3A_62 = arith.constant 1 : i32
    scf.for %scan3A_94 = %scan3A to %scan3A_61 step %scan3A_62  : i32 {
      %mul3A_95 = arith.constant 1 : i32
      %mul3A_96 = arith.muli %scan3A_94, %mul3A_95 : i32
      %add3A_97 = arith.constant 0 : i32
      %add3A_98 = arith.addi %add3A_97, %mul3A_96 : i32
      %rem3A_99 = arith.constant 2 : i32
      %rem3A_100 = arith.remsi %add3A_98, %rem3A_99 : i32
      %dma_wait3A_101 = arith.constant 0 : i32
      %dma_wait3A_102 = arith.constant 0 : i32
      %dma_wait3A_103 = tpu.memref_slice %arg6[%rem3A_100, %dma_wait3A_101, %dma_wait3A_102] : memref<2x8x4096xf32, #tpu.memory_space<vmem>> -> memref<1x8x4096xf32, #tpu.memory_space<vmem>>
      %dma_wait3A_104 = tpu.memref_squeeze %dma_wait3A_103 : memref<1x8x4096xf32, #tpu.memory_space<vmem>> -> memref<8x4096xf32, #tpu.memory_space<vmem>>
      %dma_wait3A_105 = arith.constant 0 : i32
      %dma_wait3A_106 = tpu.memref_slice %arg5[%dma_wait3A_105] : memref<256xi32, #tpu.memory_space<vmem>> -> memref<8xi32, #tpu.memory_space<vmem>>
      %dma_wait3A_107 = arith.constant 0 : i32
      %dma_wait3A_108 = arith.constant 0 : i32
      %dma_wait3A_109 = tpu.memref_slice %arg3[%dma_wait3A_107, %dma_wait3A_108] : memref<32000x4096xf32, #tpu.memory_space<hbm>> -> memref<32000x4096xf32, #tpu.memory_space<hbm>>
      %dma_wait3A_110 = tpu.memref_slice %arg7[%rem3A_100] : memref<2x!tpu.dma_semaphore, #tpu.memory_space<semaphore_mem>> -> memref<1x!tpu.dma_semaphore, #tpu.memory_space<semaphore_mem>>
      %dma_wait3A_111 = tpu.memref_squeeze %dma_wait3A_110 : memref<1x!tpu.dma_semaphore, #tpu.memory_space<semaphore_mem>> -> memref<!tpu.dma_semaphore, #tpu.memory_space<semaphore_mem>>
      tpu.wait_indirect_dma semaphore(%dma_wait3A_111 : memref<!tpu.dma_semaphore, #tpu.memory_space<semaphore_mem>>) src(%dma_wait3A_109 : memref<32000x4096xf32, #tpu.memory_space<hbm>>) dst(%dma_wait3A_104 : memref<8x4096xf32, #tpu.memory_space<vmem>>)
      %mul3A_112 = arith.constant 8 : i32
      %mul3A_113 = arith.muli %add3A_98, %mul3A_112 : i32
      %add3A_114 = arith.addi %mul3A_2, %mul3A_113 : i32
      "tpu.region"() ({
        %run_scoped3A_129 = tpu.sem_alloc : memref<!tpu.dma_semaphore, #tpu.memory_space<semaphore_mem>>
        %dma_start3A_130 = arith.constant 0 : i32
        %dma_start3A_131 = arith.constant 0 : i32
        %dma_start3A_132 = tpu.memref_slice %arg6[%rem3A_100, %dma_start3A_130, %dma_start3A_131] : memref<2x8x4096xf32, #tpu.memory_space<vmem>> -> memref<1x8x4096xf32, #tpu.memory_space<vmem>>
        %dma_start3A_133 = tpu.memref_squeeze %dma_start3A_132 : memref<1x8x4096xf32, #tpu.memory_space<vmem>> -> memref<8x4096xf32, #tpu.memory_space<vmem>>
        %dma_start3A_134 = arith.constant 0 : i32
        %dma_start3A_135 = tpu.memref_slice %arg4[%add3A_114, %dma_start3A_134] : memref<8192x4096xf32, #tpu.memory_space<hbm>> -> memref<8x4096xf32, #tpu.memory_space<hbm>>
        %dma_start3A_136 = arith.constant 0 : i32
        %dma_start3A_137 = tpu.memref_slice %arg4[%add3A_114, %dma_start3A_136] : memref<8192x4096xf32, #tpu.memory_space<hbm>> -> memref<8x4096xf32, #tpu.memory_space<hbm>>
        %dma_start3A_138 = arith.constant 0 : i32
        %dma_start3A_139 = arith.constant 0 : i32
        %dma_start3A_140 = tpu.memref_slice %arg6[%rem3A_100, %dma_start3A_138, %dma_start3A_139] : memref<2x8x4096xf32, #tpu.memory_space<vmem>> -> memref<1x8x4096xf32, #tpu.memory_space<vmem>>
        %dma_start3A_141 = tpu.memref_squeeze %dma_start3A_140 : memref<1x8x4096xf32, #tpu.memory_space<vmem>> -> memref<8x4096xf32, #tpu.memory_space<vmem>>
        tpu.enqueue_dma source(%dma_start3A_141 : memref<8x4096xf32, #tpu.memory_space<vmem>>) target(%dma_start3A_137 : memref<8x4096xf32, #tpu.memory_space<hbm>>) target_semaphore(%run_scoped3A_129 : memref<!tpu.dma_semaphore, #tpu.memory_space<semaphore_mem>>)
        %dma_wait3A_142 = arith.constant 0 : i32
        %dma_wait3A_143 = arith.constant 0 : i32
        %dma_wait3A_144 = tpu.memref_slice %arg6[%rem3A_100, %dma_wait3A_142, %dma_wait3A_143] : memref<2x8x4096xf32, #tpu.memory_space<vmem>> -> memref<1x8x4096xf32, #tpu.memory_space<vmem>>
        %dma_wait3A_145 = tpu.memref_squeeze %dma_wait3A_144 : memref<1x8x4096xf32, #tpu.memory_space<vmem>> -> memref<8x4096xf32, #tpu.memory_space<vmem>>
        %dma_wait3A_146 = arith.constant 0 : i32
        %dma_wait3A_147 = tpu.memref_slice %arg4[%add3A_114, %dma_wait3A_146] : memref<8192x4096xf32, #tpu.memory_space<hbm>> -> memref<8x4096xf32, #tpu.memory_space<hbm>>
        %dma_wait3A_148 = arith.constant 0 : i32
        %dma_wait3A_149 = tpu.memref_slice %arg4[%add3A_114, %dma_wait3A_148] : memref<8192x4096xf32, #tpu.memory_space<hbm>> -> memref<8x4096xf32, #tpu.memory_space<hbm>>
        %dma_wait3A_150 = arith.constant 0 : i32
        %dma_wait3A_151 = arith.constant 0 : i32
        %dma_wait3A_152 = tpu.memref_slice %arg6[%rem3A_100, %dma_wait3A_150, %dma_wait3A_151] : memref<2x8x4096xf32, #tpu.memory_space<vmem>> -> memref<1x8x4096xf32, #tpu.memory_space<vmem>>
        %dma_wait3A_153 = tpu.memref_squeeze %dma_wait3A_152 : memref<1x8x4096xf32, #tpu.memory_space<vmem>> -> memref<8x4096xf32, #tpu.memory_space<vmem>>
        tpu.wait_dma2 semaphore(%run_scoped3A_129 : memref<!tpu.dma_semaphore, #tpu.memory_space<semaphore_mem>>) src(%dma_wait3A_153 : memref<8x4096xf32, #tpu.memory_space<vmem>>) dst(%dma_wait3A_149 : memref<8x4096xf32, #tpu.memory_space<hbm>>)
        tpu.yield
      }) : () -> ()
      %add3A_115 = arith.constant 2 : i32
      %add3A_116 = arith.addi %add3A_98, %add3A_115 : i32
      %mul3A_117 = arith.constant 8 : i32
      %mul3A_118 = arith.muli %add3A_116, %mul3A_117 : i32
      %dma_start3A_119 = arith.constant 0 : i32
      %dma_start3A_120 = arith.constant 0 : i32
      %dma_start3A_121 = tpu.memref_slice %arg6[%rem3A_100, %dma_start3A_119, %dma_start3A_120] : memref<2x8x4096xf32, #tpu.memory_space<vmem>> -> memref<1x8x4096xf32, #tpu.memory_space<vmem>>
      %dma_start3A_122 = tpu.memref_squeeze %dma_start3A_121 : memref<1x8x4096xf32, #tpu.memory_space<vmem>> -> memref<8x4096xf32, #tpu.memory_space<vmem>>
      %dma_start3A_123 = tpu.memref_slice %arg5[%mul3A_118] : memref<256xi32, #tpu.memory_space<vmem>> -> memref<8xi32, #tpu.memory_space<vmem>>
      %dma_start3A_124 = arith.constant 0 : i32
      %dma_start3A_125 = arith.constant 0 : i32
      %dma_start3A_126 = tpu.memref_slice %arg3[%dma_start3A_124, %dma_start3A_125] : memref<32000x4096xf32, #tpu.memory_space<hbm>> -> memref<32000x4096xf32, #tpu.memory_space<hbm>>
      %dma_start3A_127 = tpu.memref_slice %arg7[%rem3A_100] : memref<2x!tpu.dma_semaphore, #tpu.memory_space<semaphore_mem>> -> memref<1x!tpu.dma_semaphore, #tpu.memory_space<semaphore_mem>>
      %dma_start3A_128 = tpu.memref_squeeze %dma_start3A_127 : memref<1x!tpu.dma_semaphore, #tpu.memory_space<semaphore_mem>> -> memref<!tpu.dma_semaphore, #tpu.memory_space<semaphore_mem>>
      tpu.enqueue_indirect_dma source(%dma_start3A_126 : memref<32000x4096xf32, #tpu.memory_space<hbm>>) target(%dma_start3A_122 : memref<8x4096xf32, #tpu.memory_space<vmem>>) offsets(%dma_start3A_123 : memref<8xi32, #tpu.memory_space<vmem>>) semaphore(%dma_start3A_128 : memref<!tpu.dma_semaphore, #tpu.memory_space<semaphore_mem>>)
    }
    %scan3A_63 = arith.constant 30 : i32
    %dma_wait3A = arith.constant 0 : i32
    %dma_wait3A_64 = arith.constant 0 : i32
    %dma_wait3A_65 = arith.constant 0 : i32
    %dma_wait3A_66 = arith.constant 0 : i32
    %dma_wait3A_67 = tpu.memref_slice %arg6[%dma_wait3A, %dma_wait3A_65, %dma_wait3A_66] : memref<2x8x4096xf32, #tpu.memory_space<vmem>> -> memref<1x8x4096xf32, #tpu.memory_space<vmem>>
    %dma_wait3A_68 = tpu.memref_squeeze %dma_wait3A_67 : memref<1x8x4096xf32, #tpu.memory_space<vmem>> -> memref<8x4096xf32, #tpu.memory_space<vmem>>
    %dma_wait3A_69 = arith.constant 0 : i32
    %dma_wait3A_70 = tpu.memref_slice %arg5[%dma_wait3A_69] : memref<256xi32, #tpu.memory_space<vmem>> -> memref<8xi32, #tpu.memory_space<vmem>>
    %dma_wait3A_71 = arith.constant 0 : i32
    %dma_wait3A_72 = arith.constant 0 : i32
    %dma_wait3A_73 = tpu.memref_slice %arg3[%dma_wait3A_71, %dma_wait3A_72] : memref<32000x4096xf32, #tpu.memory_space<hbm>> -> memref<32000x4096xf32, #tpu.memory_space<hbm>>
    %dma_wait3A_74 = tpu.memref_slice %arg7[%dma_wait3A_64] : memref<2x!tpu.dma_semaphore, #tpu.memory_space<semaphore_mem>> -> memref<1x!tpu.dma_semaphore, #tpu.memory_space<semaphore_mem>>
    %dma_wait3A_75 = tpu.memref_squeeze %dma_wait3A_74 : memref<1x!tpu.dma_semaphore, #tpu.memory_space<semaphore_mem>> -> memref<!tpu.dma_semaphore, #tpu.memory_space<semaphore_mem>>
    tpu.wait_indirect_dma semaphore(%dma_wait3A_75 : memref<!tpu.dma_semaphore, #tpu.memory_space<semaphore_mem>>) src(%dma_wait3A_73 : memref<32000x4096xf32, #tpu.memory_space<hbm>>) dst(%dma_wait3A_68 : memref<8x4096xf32, #tpu.memory_space<vmem>>)
    %add3A_76 = arith.constant 240 : i32
    %add3A_77 = arith.addi %mul3A_2, %add3A_76 : i32
    %run_scoped3A = arith.constant 0 : i32
    "tpu.region"() ({
      %run_scoped3A_94 = tpu.sem_alloc : memref<!tpu.dma_semaphore, #tpu.memory_space<semaphore_mem>>
      %dma_start3A_95 = arith.constant 0 : i32
      %dma_start3A_96 = arith.constant 0 : i32
      %dma_start3A_97 = tpu.memref_slice %arg6[%run_scoped3A, %dma_start3A_95, %dma_start3A_96] : memref<2x8x4096xf32, #tpu.memory_space<vmem>> -> memref<1x8x4096xf32, #tpu.memory_space<vmem>>
      %dma_start3A_98 = tpu.memref_squeeze %dma_start3A_97 : memref<1x8x4096xf32, #tpu.memory_space<vmem>> -> memref<8x4096xf32, #tpu.memory_space<vmem>>
      %dma_start3A_99 = arith.constant 0 : i32
      %dma_start3A_100 = tpu.memref_slice %arg4[%add3A_77, %dma_start3A_99] : memref<8192x4096xf32, #tpu.memory_space<hbm>> -> memref<8x4096xf32, #tpu.memory_space<hbm>>
      %dma_start3A_101 = arith.constant 0 : i32
      %dma_start3A_102 = tpu.memref_slice %arg4[%add3A_77, %dma_start3A_101] : memref<8192x4096xf32, #tpu.memory_space<hbm>> -> memref<8x4096xf32, #tpu.memory_space<hbm>>
      %dma_start3A_103 = arith.constant 0 : i32
      %dma_start3A_104 = arith.constant 0 : i32
      %dma_start3A_105 = tpu.memref_slice %arg6[%run_scoped3A, %dma_start3A_103, %dma_start3A_104] : memref<2x8x4096xf32, #tpu.memory_space<vmem>> -> memref<1x8x4096xf32, #tpu.memory_space<vmem>>
      %dma_start3A_106 = tpu.memref_squeeze %dma_start3A_105 : memref<1x8x4096xf32, #tpu.memory_space<vmem>> -> memref<8x4096xf32, #tpu.memory_space<vmem>>
      tpu.enqueue_dma source(%dma_start3A_106 : memref<8x4096xf32, #tpu.memory_space<vmem>>) target(%dma_start3A_102 : memref<8x4096xf32, #tpu.memory_space<hbm>>) target_semaphore(%run_scoped3A_94 : memref<!tpu.dma_semaphore, #tpu.memory_space<semaphore_mem>>)
      %dma_wait3A_107 = arith.constant 0 : i32
      %dma_wait3A_108 = arith.constant 0 : i32
      %dma_wait3A_109 = tpu.memref_slice %arg6[%run_scoped3A, %dma_wait3A_107, %dma_wait3A_108] : memref<2x8x4096xf32, #tpu.memory_space<vmem>> -> memref<1x8x4096xf32, #tpu.memory_space<vmem>>
      %dma_wait3A_110 = tpu.memref_squeeze %dma_wait3A_109 : memref<1x8x4096xf32, #tpu.memory_space<vmem>> -> memref<8x4096xf32, #tpu.memory_space<vmem>>
      %dma_wait3A_111 = arith.constant 0 : i32
      %dma_wait3A_112 = tpu.memref_slice %arg4[%add3A_77, %dma_wait3A_111] : memref<8192x4096xf32, #tpu.memory_space<hbm>> -> memref<8x4096xf32, #tpu.memory_space<hbm>>
      %dma_wait3A_113 = arith.constant 0 : i32
      %dma_wait3A_114 = tpu.memref_slice %arg4[%add3A_77, %dma_wait3A_113] : memref<8192x4096xf32, #tpu.memory_space<hbm>> -> memref<8x4096xf32, #tpu.memory_space<hbm>>
      %dma_wait3A_115 = arith.constant 0 : i32
      %dma_wait3A_116 = arith.constant 0 : i32
      %dma_wait3A_117 = tpu.memref_slice %arg6[%run_scoped3A, %dma_wait3A_115, %dma_wait3A_116] : memref<2x8x4096xf32, #tpu.memory_space<vmem>> -> memref<1x8x4096xf32, #tpu.memory_space<vmem>>
      %dma_wait3A_118 = tpu.memref_squeeze %dma_wait3A_117 : memref<1x8x4096xf32, #tpu.memory_space<vmem>> -> memref<8x4096xf32, #tpu.memory_space<vmem>>
      tpu.wait_dma2 semaphore(%run_scoped3A_94 : memref<!tpu.dma_semaphore, #tpu.memory_space<semaphore_mem>>) src(%dma_wait3A_118 : memref<8x4096xf32, #tpu.memory_space<vmem>>) dst(%dma_wait3A_114 : memref<8x4096xf32, #tpu.memory_space<hbm>>)
      tpu.yield
    }) : () -> ()
    %dma_wait3A_78 = arith.constant 1 : i32
    %dma_wait3A_79 = arith.constant 1 : i32
    %dma_wait3A_80 = arith.constant 0 : i32
    %dma_wait3A_81 = arith.constant 0 : i32
    %dma_wait3A_82 = tpu.memref_slice %arg6[%dma_wait3A_78, %dma_wait3A_80, %dma_wait3A_81] : memref<2x8x4096xf32, #tpu.memory_space<vmem>> -> memref<1x8x4096xf32, #tpu.memory_space<vmem>>
    %dma_wait3A_83 = tpu.memref_squeeze %dma_wait3A_82 : memref<1x8x4096xf32, #tpu.memory_space<vmem>> -> memref<8x4096xf32, #tpu.memory_space<vmem>>
    %dma_wait3A_84 = arith.constant 0 : i32
    %dma_wait3A_85 = tpu.memref_slice %arg5[%dma_wait3A_84] : memref<256xi32, #tpu.memory_space<vmem>> -> memref<8xi32, #tpu.memory_space<vmem>>
    %dma_wait3A_86 = arith.constant 0 : i32
    %dma_wait3A_87 = arith.constant 0 : i32
    %dma_wait3A_88 = tpu.memref_slice %arg3[%dma_wait3A_86, %dma_wait3A_87] : memref<32000x4096xf32, #tpu.memory_space<hbm>> -> memref<32000x4096xf32, #tpu.memory_space<hbm>>
    %dma_wait3A_89 = tpu.memref_slice %arg7[%dma_wait3A_79] : memref<2x!tpu.dma_semaphore, #tpu.memory_space<semaphore_mem>> -> memref<1x!tpu.dma_semaphore, #tpu.memory_space<semaphore_mem>>
    %dma_wait3A_90 = tpu.memref_squeeze %dma_wait3A_89 : memref<1x!tpu.dma_semaphore, #tpu.memory_space<semaphore_mem>> -> memref<!tpu.dma_semaphore, #tpu.memory_space<semaphore_mem>>
    tpu.wait_indirect_dma semaphore(%dma_wait3A_90 : memref<!tpu.dma_semaphore, #tpu.memory_space<semaphore_mem>>) src(%dma_wait3A_88 : memref<32000x4096xf32, #tpu.memory_space<hbm>>) dst(%dma_wait3A_83 : memref<8x4096xf32, #tpu.memory_space<vmem>>)
    %add3A_91 = arith.constant 248 : i32
    %add3A_92 = arith.addi %mul3A_2, %add3A_91 : i32
    %run_scoped3A_93 = arith.constant 1 : i32
    "tpu.region"() ({
      %run_scoped3A_94 = tpu.sem_alloc : memref<!tpu.dma_semaphore, #tpu.memory_space<semaphore_mem>>
      %dma_start3A_95 = arith.constant 0 : i32
      %dma_start3A_96 = arith.constant 0 : i32
      %dma_start3A_97 = tpu.memref_slice %arg6[%run_scoped3A_93, %dma_start3A_95, %dma_start3A_96] : memref<2x8x4096xf32, #tpu.memory_space<vmem>> -> memref<1x8x4096xf32, #tpu.memory_space<vmem>>
      %dma_start3A_98 = tpu.memref_squeeze %dma_start3A_97 : memref<1x8x4096xf32, #tpu.memory_space<vmem>> -> memref<8x4096xf32, #tpu.memory_space<vmem>>
      %dma_start3A_99 = arith.constant 0 : i32
      %dma_start3A_100 = tpu.memref_slice %arg4[%add3A_92, %dma_start3A_99] : memref<8192x4096xf32, #tpu.memory_space<hbm>> -> memref<8x4096xf32, #tpu.memory_space<hbm>>
      %dma_start3A_101 = arith.constant 0 : i32
      %dma_start3A_102 = tpu.memref_slice %arg4[%add3A_92, %dma_start3A_101] : memref<8192x4096xf32, #tpu.memory_space<hbm>> -> memref<8x4096xf32, #tpu.memory_space<hbm>>
      %dma_start3A_103 = arith.constant 0 : i32
      %dma_start3A_104 = arith.constant 0 : i32
      %dma_start3A_105 = tpu.memref_slice %arg6[%run_scoped3A_93, %dma_start3A_103, %dma_start3A_104] : memref<2x8x4096xf32, #tpu.memory_space<vmem>> -> memref<1x8x4096xf32, #tpu.memory_space<vmem>>
      %dma_start3A_106 = tpu.memref_squeeze %dma_start3A_105 : memref<1x8x4096xf32, #tpu.memory_space<vmem>> -> memref<8x4096xf32, #tpu.memory_space<vmem>>
      tpu.enqueue_dma source(%dma_start3A_106 : memref<8x4096xf32, #tpu.memory_space<vmem>>) target(%dma_start3A_102 : memref<8x4096xf32, #tpu.memory_space<hbm>>) target_semaphore(%run_scoped3A_94 : memref<!tpu.dma_semaphore, #tpu.memory_space<semaphore_mem>>)
      %dma_wait3A_107 = arith.constant 0 : i32
      %dma_wait3A_108 = arith.constant 0 : i32
      %dma_wait3A_109 = tpu.memref_slice %arg6[%run_scoped3A_93, %dma_wait3A_107, %dma_wait3A_108] : memref<2x8x4096xf32, #tpu.memory_space<vmem>> -> memref<1x8x4096xf32, #tpu.memory_space<vmem>>
      %dma_wait3A_110 = tpu.memref_squeeze %dma_wait3A_109 : memref<1x8x4096xf32, #tpu.memory_space<vmem>> -> memref<8x4096xf32, #tpu.memory_space<vmem>>
      %dma_wait3A_111 = arith.constant 0 : i32
      %dma_wait3A_112 = tpu.memref_slice %arg4[%add3A_92, %dma_wait3A_111] : memref<8192x4096xf32, #tpu.memory_space<hbm>> -> memref<8x4096xf32, #tpu.memory_space<hbm>>
      %dma_wait3A_113 = arith.constant 0 : i32
      %dma_wait3A_114 = tpu.memref_slice %arg4[%add3A_92, %dma_wait3A_113] : memref<8192x4096xf32, #tpu.memory_space<hbm>> -> memref<8x4096xf32, #tpu.memory_space<hbm>>
      %dma_wait3A_115 = arith.constant 0 : i32
      %dma_wait3A_116 = arith.constant 0 : i32
      %dma_wait3A_117 = tpu.memref_slice %arg6[%run_scoped3A_93, %dma_wait3A_115, %dma_wait3A_116] : memref<2x8x4096xf32, #tpu.memory_space<vmem>> -> memref<1x8x4096xf32, #tpu.memory_space<vmem>>
      %dma_wait3A_118 = tpu.memref_squeeze %dma_wait3A_117 : memref<1x8x4096xf32, #tpu.memory_space<vmem>> -> memref<8x4096xf32, #tpu.memory_space<vmem>>
      tpu.wait_dma2 semaphore(%run_scoped3A_94 : memref<!tpu.dma_semaphore, #tpu.memory_space<semaphore_mem>>) src(%dma_wait3A_118 : memref<8x4096xf32, #tpu.memory_space<vmem>>) dst(%dma_wait3A_114 : memref<8x4096xf32, #tpu.memory_space<hbm>>)
      tpu.yield
    }) : () -> ()
    return
  }
}

</mosaic_0001>

<sc_bundles>
// kernel: _embed.3.cloned.1.call-start
scs
__scs_entry_jumppad:
0x0: {  	(pc) =	sbr.rel $0x88, $3  }
0x1: {  	(tag) =	ssettag $0x0;
	lr =	simm.s32 $0x1  }
0x2: {  	[smem:$0x3F9F] =	sst lr;
	_ =	strace $0xD0000000  }
0x3: {  	_ = 	snop  }
0x4: {  	_ = 	snop  }
0x5: {  	_ = 	snop  }
0x6: {  	_ = 	snop  }
0x7: {  	_ = 	snop  }
__scs_overlays_trampoline_lowered:
0x8: {  	[smem:$0x3FAE] =	sst s0  }
0x9: {  	[smem:$0x3FAF] =	sst s1  }
0xa: {  	[smem:$0x3FB0] =	sst s2  }
0xb: {  	[smem:$0x3FB1] =	sst s3  }
0xc: {  	[smem:$0x3FB2] =	sst s4  }
0xd: {  	[smem:$0x3FB3] =	sst s5  }
0xe: {  	[smem:$0x3FB4] =	sst s6  }
0xf: {  	[smem:$0x3FB5] =	sst s7  }
0x10: {  	[smem:$0x3FB6] =	sst s8  }
0x11: {  	[smem:$0x3FB7] =	sst s9;
	s0 =	simm.s32 @!p0 $0x0  }
0x12: {  	s1 =	sld [smem:$0x3F9D];
	s0 =	simm.s32 @p0 $0x1  }
0x13: {  	[smem:$0x3FB8] =	sst s0;
	s0 =	simm.s32 @!p1 $0x0  }
0x14: {  	s2 =	sld [smem:$0x3F9C];
	s0 =	simm.s32 @p1 $0x1  }
0x15: {  	[smem:$0x3FB9] =	sst s0;
	s0 =	simm.s32 @!p2 $0x0  }
0x16: {  	s3 =	sld [smem:$0x3FDB];
	s0 =	simm.s32 @p2 $0x1  }
0x17: {  	s4 =	simm.s32 $0x1BF5;
	[smem:$0x3FBB] =	sst s0  }
0x18: {  	s0 =	sld [smem:$0x3F9E];
	_ =	swait.ge [sflag:s4], $0x0  }
0x19: {  	s7 =	sld [smem:$0x3F9F]  }
0x1a: {  	s8 =	sadd.s32 $0xFFFFE003, lr  }
0x1b: {  	s9 =	sadd.s32 $0xFFFFFEF7, lr;
	s5 =	simm.s32 $0xFFFFFFFF;
	p2 =	slt.u32 s8, $0xFFFFF086  }
0x1c: {  	p1 =	slt.u32 s9, $0xF7A;
	s5 =	simm.s32 @!p2 $0x0  }
0x1d: {  	s5 =	simm.s32 @p1 $0x1;
	p0 =	seq.s32 s7, s2  }
0x1e: {  	s7 =	smul.u32 @!p0 $0xF7A, s2;
	p2 =	seq.s32 @!p0 s5, $0x0  }
0x1f: {  	s9 =	smul.u32 $0xF7A, s1;
	s8 =	simm.s32 @!p0 $0x1BF5;
	p2 =	por !p2, p0  }
0x20: {  	[sflag:s8] =	ssyncset.s32 @!p0 $0xFFFFF086;
	s6 =	sadd.s32 @!p0 s3, s7;
	s7 =	simm.s32 @!p0 $0x108  }
0x21: {  	s3 =	sadd.s32 s3, s9;
	s6 =	sadd.s32 @!p0 $0x88, s6;
	s7 =	simm.s32 @p2 $0x1082  }
0x22: {  	[simem:s7], [sflag:s8] =	dma.local @!p0 [hbm:s6], $0xF7A  }
0x23: {  	s9 =	sor.u32 $0xD0000000, s2;
	s6 =	simm.s32 $0x108;
	_ =	swait.ge @!p0 [sflag:s8], $0x0  }
0x24: {  	s3 =	sadd.s32 $0x88, s3;
	s6 =	simm.s32 @!p1 $0x1082;
	[sflag:s4] =	ssyncset.s32 $0xFFFFF086  }
0x25: {  	[simem:s6], [sflag:s4] =	dma.local [hbm:s3], $0xF7A  }
0x26: {  	[smem:$0x3F9F] =	sst s1;
	(tag) =	ssettag s2;
	_ =	strace s9  }
0x27: {  	s1 =	sld [smem:$0x3FAF]  }
0x28: {  	s2 =	sld [smem:$0x3FB0]  }
0x29: {  	s4 =	sld [smem:$0x3FB2]  }
0x2a: {  	p0 =	seq.s32 s5, $0x0;
	s5 =	sld [smem:$0x3FB3]  }
0x2b: {  	s6 =	sld [smem:$0x3FB4]  }
0x2c: {  	s7 =	sld [smem:$0x3FB5]  }
0x2d: {  	s3 =	simm.s32 $0x108;
	s8 =	sld [smem:$0x3FB6]  }
0x2e: {  	s3 =	simm.s32 @!p0 $0x1082;
	s9 =	sld [smem:$0x3FB7]  }
0x2f: {  	lr =	sadd.s32 s0, s3;
	s0 =	sld [smem:$0x3FAE]  }
0x30: {  	s3 =	sld [smem:$0x3FB1]  }
0x31: {  	[smem:$0x3FBA] =	sst s10  }
0x32: {  	s10 =	sld [smem:$0x3FB8];
	_ =	sdelay $0x3  }
0x33: {  	p0 =	seq.s32 s10, $0x1;
	s10 =	sld [smem:$0x3FBA];
	_ =	sdelay $0x3  }
0x34: {  	[smem:$0x3FBA] =	sst s10  }
0x35: {  	s10 =	sld [smem:$0x3FB9];
	_ =	sdelay $0x3  }
0x36: {  	p1 =	seq.s32 s10, $0x1;
	s10 =	sld [smem:$0x3FBA];
	_ =	sdelay $0x3  }
0x37: {  	[smem:$0x3FBA] =	sst s10  }
0x38: {  	s10 =	sld [smem:$0x3FBB]  }
0x39: {  	_ = 	snop;
	(pc) =	sbr.ind lr, $3  }
0x3a: {  	_ = 	snop  }
0x3b: {  	_ = 	snop  }
0x3c: {  	p2 =	seq.s32 s10, $0x1;
	s10 =	sld [smem:$0x3FBA]  }
0x3d: {  	_ =	shalt  }
0x3e: {  	_ =	shalt  }
0x3f: {  	_ =	shalt  }
0x40: {  	_ =	shalt  }
0x41: {  	_ =	shalt  }
0x42: {  	_ =	shalt  }
0x43: {  	_ =	shalt  }
0x44: {  	_ =	shalt  }
0x45: {  	_ =	shalt  }
0x46: {  	_ =	shalt  }
0x47: {  	_ =	shalt  }
0x48: {  	_ =	shalt  }
0x49: {  	_ =	shalt  }
0x4a: {  	_ =	shalt  }
0x4b: {  	_ =	shalt  }
0x4c: {  	_ =	shalt  }
0x4d: {  	_ =	shalt  }
0x4e: {  	_ =	shalt  }
0x4f: {  	_ =	shalt  }
0x50: {  	_ =	shalt  }
0x51: {  	_ =	shalt  }
0x52: {  	_ =	shalt  }
0x53: {  	_ =	shalt  }
0x54: {  	_ =	shalt  }
0x55: {  	_ =	shalt  }
0x56: {  	_ =	shalt  }
0x57: {  	_ =	shalt  }
0x58: {  	_ =	shalt  }
0x59: {  	_ =	shalt  }
0x5a: {  	_ =	shalt  }
0x5b: {  	_ =	shalt  }
0x5c: {  	_ =	shalt  }
0x5d: {  	_ =	shalt  }
0x5e: {  	_ =	shalt  }
0x5f: {  	_ =	shalt  }
0x60: {  	_ =	shalt  }
0x61: {  	_ =	shalt  }
0x62: {  	_ =	shalt  }
0x63: {  	_ =	shalt  }
0x64: {  	_ =	shalt  }
0x65: {  	_ =	shalt  }
0x66: {  	_ =	shalt  }
0x67: {  	_ =	shalt  }
0x68: {  	_ =	shalt  }
0x69: {  	_ =	shalt  }
0x6a: {  	_ =	shalt  }
0x6b: {  	_ =	shalt  }
0x6c: {  	_ =	shalt  }
0x6d: {  	_ =	shalt  }
0x6e: {  	_ =	shalt  }
0x6f: {  	_ =	shalt  }
0x70: {  	_ =	shalt  }
0x71: {  	_ =	shalt  }
0x72: {  	_ =	shalt  }
0x73: {  	_ =	shalt  }
0x74: {  	_ =	shalt  }
0x75: {  	_ =	shalt  }
0x76: {  	_ =	shalt  }
0x77: {  	_ =	shalt  }
0x78: {  	_ =	shalt  }
0x79: {  	_ =	shalt  }
0x7a: {  	_ =	shalt  }
0x7b: {  	_ =	shalt  }
0x7c: {  	_ =	shalt  }
0x7d: {  	_ =	shalt  }
0x7e: {  	_ =	shalt  }
0x7f: {  	_ =	shalt  }
0x80: {  	_ =	shalt  }
0x81: {  	_ =	shalt  }
0x82: {  	_ =	shalt  }
0x83: {  	_ =	shalt  }
0x84: {  	_ =	shalt  }
0x85: {  	_ =	shalt  }
0x86: {  	_ =	shalt  }
0x87: {  	_ =	shalt  }
.Lfunc_end0:
.L_simem_size_0:
called_computation_lowered:
.L_overlay_start_0:
0x88: {  	s2 =	sld [smem:$0x3FD9]  }
0x89: {  	s3 =	sld [smem:$0x3FFE];
	_ =	sdelay $0x1  }
0x8a: {  	s1 =	srdreg.scid  }
0x8b: {  	s0 =	sand.u32 $0x1, s1  }
0x8c: {  	s18 =	sshll.u32 s0, $0xA;
	s2 =	sadd.s32 s3, s2  }
0x8d: {  	s2 =	sadd.s32 s2, s18  }
0x8e: {  	[smem:$0x3FC6] =	sst s2  }
0x8f: {  	_ = 	snop  }
0x90: {  	s2 =	sld [smem:$0x3FC9]  }
0x91: {  	s19 =	sld [smem:$0x3FC8]  }
0x92: {  	s4 =	sld [smem:$0x3FD0];
	(tm) =	ssettm $0x1  }
0x93: {  	s5 =	sld [smem:$0x3FFB];
	_ =	sdelay $0x3  }
0x94: {  	_ =	strace s5  }
0x95: {  	s5 =	sld [smem:$0x3FFC];
	_ =	sdelay $0x3  }
0x96: {  	_ =	strace s5  }
0x97: {  	s5 =	sld [smem:$0x3FFD];
	_ =	sdelay $0x3  }
0x98: {  	_ =	strace s5  }
0x99: {  	_ =	strace $0x8FFFFFFF  }
0x9a: {  	s20 =	sld [smem:$0x3FDB];
	_ =	sdelay $0x1  }
0x9b: {  	s6 =	simm.s32 $_scs_section_size  }
0x9c: {  	s7 =	simm.s32 $_size__tile_overlayer_lowered;
	s8 =	simm.s32 $_tile_overlayer_lowered  }
0x9d: {  	s23 =	simm.s32 $0x1BFF;
	s22 =	sshll.u32 s8, $0x1;
	s5 =	sadd.s32 s6, s20  }
0x9e: {  	s9 =	simm.s32 $0x0;
	s21 =	sshll.u32 s7, $0x1;
	s7 =	sadd.s32 s22, s5  }
0x9f: {  	[timem:s9], [sflag:s23] =	dma.local [hbm:s7], s21  }
0xa0: {  	_ =	swait.ge [sflag:s23], s21  }
0xa1: {  	s6 =	ssub.s32 $0x0, s21;
	[sflag:s23] =	ssyncset.done $0x0  }
0xa2: {  	[sflag:s23] =	ssyncadd.s32 s6;
	_ =	sdelay $0x1  }
0xa3: {  	s24 =	simm.s32 $0x1B8B  }
0xa4: {  	_ =	swait.ge [sflag:s24], $0x1  }
0xa5: {  	[sflag:s24] =	ssyncset.done $0x0  }
0xa6: {  	s25 =	simm.s32 $0x1B8E;
	[sflag:s24] =	ssyncadd.s32 $0xFFFFFFFF  }
0xa7: {  	s26 =	simm.s32 $execute0_lowered;
	[smem:$0x3FD2] =	sst s25  }
0xa8: {  	s6 =	sshll.u32 s26, $0x1;
	_ =	strace $0x80000046;
	[dreg:$0x1] =	wrdreg $0xFFFFFFFF  }
0xa9: {  	s28 =	simm.s32 $_size_execute0_lowered;
	s5 =	sadd.s32 s5, s6;
	[dreg:$0x0] =	wrdreg $0x0  }
0xaa: {  	s6 =	sshll.u32 s28, $0x1;
	[dreg:$0x2] =	wrdreg s5  }
0xab: {  	[dreg:$0x3] =	wrdreg s6  }
0xac: {  	[dreg:$0x4] =	wrdreg $0xC0  }
0xad: {  	_ =	task [dreg:s9], $0x5FFFF  }
0xae: {  	[dreg:$0x1] =	wrdreg $0xFFFFFFFF  }
0xaf: {  	[dreg:$0x0] =	wrdreg $0x60  }
0xb0: {  	[dreg:$0x2] =	wrdreg s2  }
0xb1: {  	[dreg:$0x3] =	wrdreg s19  }
0xb2: {  	[dreg:$0x4] =	wrdreg s4  }
0xb3: {  	[dreg:$0x5] =	wrdreg $0x9  }
0xb4: {  	_ =	task.clear_ibuf [dreg:s9], $0x6FFFF;
	_ =	strace $0x90000046  }
0xb5: {  	s29 =	simm.s32 $0x9;
	_ =	strace $0x80000048  }
0xb6: {  	_ =	swait.ge [sflag:s29], $0x1  }
0xb7: {  	[sflag:s29] =	ssyncadd.s32 $0xFFFFFFFF  }
0xb8: {  	_ =	strace $0x90000048  }
0xb9: {  	_ =	sfence  }
0xba: {  	s30 =	sld [smem:$0x0];
	_ =	sdelay $0x2  }
0xbb: {  	s31 =	sshll.u32 s1, $0xD;
	s1 =	sshrl.u32 s1, $0x2  }
0xbc: {  	s3 =	sand.u32 $0x4000, s31;
	s1 =	sadd.s32 s1, s30  }
0xbd: {  	s0 =	sor.u32 s3, s0;
	s1 =	sshll.u32 s1, $0x11  }
0xbe: {  	s0 =	sor.u32 s1, s0  }
0xbf: {  	s0 =	sadd.s32 $0x8F2B, s0  }
0xc0: {  	[sflag:s0] =	ssyncadd.remote.s32 $0x1  }
0xc1: {  	_ =	sfence.sel $0xFFFF  }
0xc2: {  	[dreg:$0x0] =	wrdreg $0xFFFFFFFF;
	(pc) =	sbr.abs _section_cstart, $3  }
0xc3: {  	[dreg:$0x1] =	wrdreg $0xFFFFFFFF  }
0xc4: {  	_ =	task.clear_ibuf [dreg:s9], $0x2FFFF;
	_ =	strace $0x9FFFFFFF  }
0xc5: {  	(tm) =	ssettm $0x7FFFFFFF  }
tec
execute0_lowered:
.L_overlay_start_1:
0x0: {  	(tag) =	ssettag $0x1  }
0x1: {  	s0 =	rddreg [dreg:$0x0]  }
0x2: {  	s1 =	rddreg [dreg:$0x1]  }
0x3: {  	s2 =	rddreg [dreg:$0x2]  }
0x4: {  	s3 =	simm.s32 $0x0;
	s4 =	srdreg.scid;
	s21 =	stileid.u32  }
0x5: {  	s24 =	simm.s32 $0x1;
	s29 =	simm.s32 $0x0;
	[smem:$0x7FF] =	sst s3  }
0x6: {  	s4 =	sand.u32 $0x1, s4;
	s5 =	sshll.u32 s21, $0x1;
	s25 =	sshll.u32 s21, $0x2  }
0x7: {  	s9 =	sadd.s32 $0x500, s1;
	s10 =	sadd.s32 $0x600, s1;
	s11 =	sadd.s32 $0x700, s1  }
0x8: {  	s12 =	sadd.s32 $0x800, s1;
	s13 =	sadd.s32 $0x900, s1;
	s14 =	sadd.s32 $0xA00, s1  }
0x9: {  	s15 =	sadd.s32 $0xB00, s1;
	s16 =	sadd.s32 $0xC00, s1;
	s17 =	sadd.s32 $0xD00, s1  }
0xa: {  	s19 =	sadd.s32 $0xF00, s1;
	s30 =	sshll.u32 s21, $0x12;
	s21 =	simm.s32 $0x8100  }
0xb: {  	_ =	strace $0x80000047;
	s6 =	ssub.s32 $0x2, s4;
	s18 =	sor.u32 s4, s5  }
0xc: {  	s5 =	sand.u32 $0x30, s25;
	s31 =	sshll.u32 s4, $0x11;
	s25 =	simm.s32 $0x2  }
0xd: {  	s7 =	sshrl.u32 s6, $0x1;
	s8 =	sshll.u32 s18, $0x7;
	s0 =	sadd.s32 s0, s5  }
0xe: {  	s5 =	sadd.s32 $0x100, s1;
	s28 =	sshll.u32 s18, $0x11;
	s18 =	sadd.s32 $0xE00, s1  }
0xf: {  	s20 =	ssub.s32 s6, s7;
	s26 =	sand.u32 $0x380, s8;
	s6 =	sadd.s32 $0x200, s1  }
0x10: {  	s7 =	sadd.s32 $0x300, s1;
	s8 =	sadd.s32 $0x400, s1;
	s0 =	sadd.s32 s26, s0  }
0x11: {  	s20 =	smax.u32 s20, $0x1;
	[dreg:$0x4] =	wrdreg s0;
	s0 =	sadd.s32 s28, s2  }
0x12: {  	v0 =	vlaneseq.u32;
	[dreg:$0x7] =	wrdreg s20;
	s22 =	sadd.s32 $0x1E000, s0;
	s0 =	sadd.s32 $0x1F000, s0  }
0x13: {  	v1 =	vshrl.u32 v0, $0x3;
	s26 =	simm.s32 $0x3;
	[dreg:$0x6] =	wrdreg s0;
	s0 =	sadd.s32 s30, s2  }
0x14: {  	vm0 =	vmmov $0xffff;
	v0 =	vand.u32 $0x7, v0;
	v1 =	vmul.u32 $0x8, v1;
	s20 =	simm.s32 $0x100;
	[dreg:$0x5] =	wrdreg s22;
	s23 =	sadd.s32 s31, s0  }
.LBB2_1:
0x15: {  	s0 =	rddreg [dreg:$0x4];
	s2 =	simm.s32 $0x80;
	s4 =	simm.s32 $0x200  }
0x16: {  	[tilespmem:s3], [sflag:$0x3] =	stream.strided.gather [hbm4b:s0+s2], $0x100, s4, s2, $0x38;
	[tilespmem:$0x10100] =	vst v63  }
0x17: {  	_ =	swait.ge [sflag:s26], $0x100  }
0x18: {  	[sflag:s26] =	ssyncset.done $0x0  }
0x19: {  	[sflag:s26] =	ssyncadd.s32 $0xFFFFFF00  }
0x1a: {  	v2 =	vld.msk [tilespmem:$0x0], $0xff;
	_ =	sdelay $0x4  }
0x1b: {  	v3 =	vshll.u32 v2, $0x5  }
0x1c: {  	v2 =	vand.u32 $0x7, v2;
	v3 =	vand.u32 $0xFFFFFF00, v3  }
0x1d: {  	v2 =	vor.u32 v2, v3  }
0x1e: {  	v2 =	vperm.xlane v2, v0;
	_ =	sdelay $0x1  }
0x1f: {  	v2 =	vadd.s32 v1, v2;
	_ =	sdelay $0x4  }
0x20: {  	[tilespmem:s20], [sflag:$0x1] =	stream.indirect_vreg.gather [hbm4b:s1+s3], $0x80, v2, vm0, $0xb8;
	[tilespmem:$0x10100] =	vst v63  }
0x21: {  	s28 =	simm.s32 $0x900  }
0x22: {  	[tilespmem:s28], [sflag:$0x1] =	stream.indirect_vreg.gather [hbm4b:s5+s3], $0x80, v2, vm0, $0xb8;
	[tilespmem:$0x10100] =	vst v63  }
0x23: {  	s30 =	simm.s32 $0x1100  }
0x24: {  	[tilespmem:s30], [sflag:$0x1] =	stream.indirect_vreg.gather [hbm4b:s6+s3], $0x80, v2, vm0, $0xb8;
	[tilespmem:$0x10100] =	vst v63  }
0x25: {  	s2 =	simm.s32 $0x1900  }
0x26: {  	[tilespmem:s2], [sflag:$0x1] =	stream.indirect_vreg.gather [hbm4b:s7+s3], $0x80, v2, vm0, $0xb8;
	[tilespmem:$0x10100] =	vst v63  }
0x27: {  	s4 =	simm.s32 $0x2100  }
0x28: {  	[tilespmem:s4], [sflag:$0x1] =	stream.indirect_vreg.gather [hbm4b:s8+s3], $0x80, v2, vm0, $0xb8;
	[tilespmem:$0x10100] =	vst v63  }
0x29: {  	s20 =	simm.s32 $0x2900  }
0x2a: {  	[tilespmem:s20], [sflag:$0x1] =	stream.indirect_vreg.gather [hbm4b:s9+s3], $0x80, v2, vm0, $0xb8;
	[tilespmem:$0x10100] =	vst v63  }
0x2b: {  	s22 =	simm.s32 $0x3100  }
0x2c: {  	[tilespmem:s22], [sflag:$0x1] =	stream.indirect_vreg.gather [hbm4b:s10+s3], $0x80, v2, vm0, $0xb8;
	[tilespmem:$0x10100] =	vst v63  }
0x2d: {  	s28 =	simm.s32 $0x3900  }
0x2e: {  	[tilespmem:s28], [sflag:$0x1] =	stream.indirect_vreg.gather [hbm4b:s11+s3], $0x80, v2, vm0, $0xb8;
	[tilespmem:$0x10100] =	vst v63  }
0x2f: {  	s30 =	simm.s32 $0x4100  }
0x30: {  	[tilespmem:s30], [sflag:$0x1] =	stream.indirect_vreg.gather [hbm4b:s12+s3], $0x80, v2, vm0, $0xb8;
	[tilespmem:$0x10100] =	vst v63  }
0x31: {  	s2 =	simm.s32 $0x4900  }
0x32: {  	[tilespmem:s2], [sflag:$0x1] =	stream.indirect_vreg.gather [hbm4b:s13+s3], $0x80, v2, vm0, $0xb8;
	[tilespmem:$0x10100] =	vst v63  }
0x33: {  	s4 =	simm.s32 $0x5100  }
0x34: {  	[tilespmem:s4], [sflag:$0x1] =	stream.indirect_vreg.gather [hbm4b:s14+s3], $0x80, v2, vm0, $0xb8;
	[tilespmem:$0x10100] =	vst v63  }
0x35: {  	s20 =	simm.s32 $0x5900  }
0x36: {  	[tilespmem:s20], [sflag:$0x1] =	stream.indirect_vreg.gather [hbm4b:s15+s3], $0x80, v2, vm0, $0xb8;
	[tilespmem:$0x10100] =	vst v63  }
0x37: {  	s22 =	simm.s32 $0x6100  }
0x38: {  	[tilespmem:s22], [sflag:$0x1] =	stream.indirect_vreg.gather [hbm4b:s16+s3], $0x80, v2, vm0, $0xb8;
	[tilespmem:$0x10100] =	vst v63  }
0x39: {  	s28 =	simm.s32 $0x6900  }
0x3a: {  	[tilespmem:s28], [sflag:$0x1] =	stream.indirect_vreg.gather [hbm4b:s17+s3], $0x80, v2, vm0, $0xb8;
	[tilespmem:$0x10100] =	vst v63  }
0x3b: {  	s30 =	simm.s32 $0x7100  }
0x3c: {  	[tilespmem:s30], [sflag:$0x1] =	stream.indirect_vreg.gather [hbm4b:s18+s3], $0x80, v2, vm0, $0xb8;
	[tilespmem:$0x10100] =	vst v63  }
0x3d: {  	s2 =	simm.s32 $0x7900  }
0x3e: {  	[tilespmem:s2], [sflag:$0x1] =	stream.indirect_vreg.gather [hbm4b:s19+s3], $0x80, v2, vm0, $0xb8;
	[tilespmem:$0x10100] =	vst v63  }
0x3f: {  	v2 =	vld.msk [tilespmem:$0x8], $0xff;
	_ =	sdelay $0x4  }
0x40: {  	v3 =	vshll.u32 v2, $0x5  }
0x41: {  	v2 =	vand.u32 $0x7, v2;
	v3 =	vand.u32 $0xFFFFFF00, v3  }
0x42: {  	v2 =	vor.u32 v2, v3  }
0x43: {  	v2 =	vperm.xlane v2, v0;
	_ =	sdelay $0x1  }
0x44: {  	v2 =	vadd.s32 v1, v2;
	_ =	sdelay $0x4  }
0x45: {  	[tilespmem:s21], [sflag:$0x2] =	stream.indirect_vreg.gather [hbm4b:s1+s3], $0x80, v2, vm0, $0xb8;
	[tilespmem:$0x10100] =	vst v63  }
0x46: {  	s4 =	simm.s32 $0x8900  }
0x47: {  	[tilespmem:s4], [sflag:$0x2] =	stream.indirect_vreg.gather [hbm4b:s5+s3], $0x80, v2, vm0, $0xb8;
	[tilespmem:$0x10100] =	vst v63  }
0x48: {  	s20 =	simm.s32 $0x9100  }
0x49: {  	[tilespmem:s20], [sflag:$0x2] =	stream.indirect_vreg.gather [hbm4b:s6+s3], $0x80, v2, vm0, $0xb8;
	[tilespmem:$0x10100] =	vst v63  }
0x4a: {  	s21 =	simm.s32 $0x9900  }
0x4b: {  	[tilespmem:s21], [sflag:$0x2] =	stream.indirect_vreg.gather [hbm4b:s7+s3], $0x80, v2, vm0, $0xb8;
	[tilespmem:$0x10100] =	vst v63  }
0x4c: {  	s22 =	simm.s32 $0xA100  }
0x4d: {  	[tilespmem:s22], [sflag:$0x2] =	stream.indirect_vreg.gather [hbm4b:s8+s3], $0x80, v2, vm0, $0xb8;
	[tilespmem:$0x10100] =	vst v63  }
0x4e: {  	s28 =	simm.s32 $0xA900  }
0x4f: {  	[tilespmem:s28], [sflag:$0x2] =	stream.indirect_vreg.gather [hbm4b:s9+s3], $0x80, v2, vm0, $0xb8;
	[tilespmem:$0x10100] =	vst v63  }
0x50: {  	s30 =	simm.s32 $0xB100  }
0x51: {  	[tilespmem:s30], [sflag:$0x2] =	stream.indirect_vreg.gather [hbm4b:s10+s3], $0x80, v2, vm0, $0xb8;
	[tilespmem:$0x10100] =	vst v63  }
0x52: {  	s2 =	simm.s32 $0xB900  }
0x53: {  	[tilespmem:s2], [sflag:$0x2] =	stream.indirect_vreg.gather [hbm4b:s11+s3], $0x80, v2, vm0, $0xb8;
	[tilespmem:$0x10100] =	vst v63  }
0x54: {  	s4 =	simm.s32 $0xC100  }
0x55: {  	[tilespmem:s4], [sflag:$0x2] =	stream.indirect_vreg.gather [hbm4b:s12+s3], $0x80, v2, vm0, $0xb8;
	[tilespmem:$0x10100] =	vst v63  }
0x56: {  	s20 =	simm.s32 $0xC900  }
0x57: {  	[tilespmem:s20], [sflag:$0x2] =	stream.indirect_vreg.gather [hbm4b:s13+s3], $0x80, v2, vm0, $0xb8;
	[tilespmem:$0x10100] =	vst v63  }
0x58: {  	s21 =	simm.s32 $0xD100  }
0x59: {  	[tilespmem:s21], [sflag:$0x2] =	stream.indirect_vreg.gather [hbm4b:s14+s3], $0x80, v2, vm0, $0xb8;
	[tilespmem:$0x10100] =	vst v63  }
0x5a: {  	s22 =	simm.s32 $0xD900  }
0x5b: {  	[tilespmem:s22], [sflag:$0x2] =	stream.indirect_vreg.gather [hbm4b:s15+s3], $0x80, v2, vm0, $0xb8;
	[tilespmem:$0x10100] =	vst v63  }
0x5c: {  	s28 =	simm.s32 $0xE100  }
0x5d: {  	[tilespmem:s28], [sflag:$0x2] =	stream.indirect_vreg.gather [hbm4b:s16+s3], $0x80, v2, vm0, $0xb8;
	[tilespmem:$0x10100] =	vst v63  }
0x5e: {  	s30 =	simm.s32 $0xE900  }
0x5f: {  	[tilespmem:s30], [sflag:$0x2] =	stream.indirect_vreg.gather [hbm4b:s17+s3], $0x80, v2, vm0, $0xb8;
	[tilespmem:$0x10100] =	vst v63  }
0x60: {  	s2 =	simm.s32 $0xF100;
	s20 =	sand.u32 $0x1, s3  }
0x61: {  	[tilespmem:s2], [sflag:$0x2] =	stream.indirect_vreg.gather [hbm4b:s18+s3], $0x80, v2, vm0, $0xb8;
	[tilespmem:$0x10100] =	vst v63  }
0x62: {  	s4 =	simm.s32 $0xF900;
	s31 =	sadd.s32 $0x1, s20  }
0x63: {  	[tilespmem:s4], [sflag:$0x2] =	stream.indirect_vreg.gather [hbm4b:s19+s3], $0x80, v2, vm0, $0xb8;
	[tilespmem:$0x10100] =	vst v63  }
0x64: {  	_ =	swait.ge [sflag:s31], $0x8000  }
0x65: {  	s2 =	sshll.u32 s20, $0xF;
	[sflag:s31] =	ssyncset.done $0x0  }
0x66: {  	s0 =	sor.u32 $0x100, s2;
	[sflag:s31] =	ssyncadd.s32 $0xFFFF8000  }
0x67: {  	[hbm4b:s23+s3] =	stream.linear.scatter [tilespmem:s0], [sflag:$0x3], $0x8000, $0x38;
	[tilespmem:$0x10100] =	vst v63  }
0x68: {  	_ =	swait.ge [sflag:s26], $0x8000  }
0x69: {  	[sflag:s26] =	ssyncset.done $0x0  }
0x6a: {  	s21 =	simm.s32 $0x10;
	[sflag:s26] =	ssyncadd.s32 $0xFFFF8000  }
0x6b: {  	v2 =	vld.msk [tilespmem:s21+$0x0], $0xff;
	_ =	sdelay $0x4  }
0x6c: {  	v3 =	vshll.u32 v2, $0x5  }
0x6d: {  	v2 =	vand.u32 $0x7, v2;
	v3 =	vand.u32 $0xFFFFFF00, v3  }
0x6e: {  	v2 =	vor.u32 v2, v3  }
0x6f: {  	v2 =	vperm.xlane v2, v0;
	_ =	sdelay $0x1  }
0x70: {  	v2 =	vadd.s32 v1, v2;
	_ =	sdelay $0x4  }
0x71: {  	[tilespmem:s0], [sflag:s31] =	stream.indirect_vreg.gather [hbm4b:s1+s3], $0x80, v2, vm0, $0xb8;
	[tilespmem:$0x10100] =	vst v63  }
0x72: {  	s22 =	sor.u32 $0x900, s2  }
0x73: {  	[tilespmem:s22], [sflag:s31] =	stream.indirect_vreg.gather [hbm4b:s5+s3], $0x80, v2, vm0, $0xb8;
	[tilespmem:$0x10100] =	vst v63  }
0x74: {  	s28 =	sor.u32 $0x1100, s2  }
0x75: {  	[tilespmem:s28], [sflag:s31] =	stream.indirect_vreg.gather [hbm4b:s6+s3], $0x80, v2, vm0, $0xb8;
	[tilespmem:$0x10100] =	vst v63  }
0x76: {  	s30 =	sor.u32 $0x1900, s2  }
0x77: {  	[tilespmem:s30], [sflag:s31] =	stream.indirect_vreg.gather [hbm4b:s7+s3], $0x80, v2, vm0, $0xb8;
	[tilespmem:$0x10100] =	vst v63  }
0x78: {  	s4 =	sor.u32 $0x2100, s2  }
0x79: {  	[tilespmem:s4], [sflag:s31] =	stream.indirect_vreg.gather [hbm4b:s8+s3], $0x80, v2, vm0, $0xb8;
	[tilespmem:$0x10100] =	vst v63  }
0x7a: {  	s20 =	sor.u32 $0x2900, s2  }
0x7b: {  	[tilespmem:s20], [sflag:s31] =	stream.indirect_vreg.gather [hbm4b:s9+s3], $0x80, v2, vm0, $0xb8;
	[tilespmem:$0x10100] =	vst v63  }
0x7c: {  	s21 =	sor.u32 $0x3100, s2  }
0x7d: {  	[tilespmem:s21], [sflag:s31] =	stream.indirect_vreg.gather [hbm4b:s10+s3], $0x80, v2, vm0, $0xb8;
	[tilespmem:$0x10100] =	vst v63  }
0x7e: {  	s22 =	sor.u32 $0x3900, s2  }
0x7f: {  	[tilespmem:s22], [sflag:s31] =	stream.indirect_vreg.gather [hbm4b:s11+s3], $0x80, v2, vm0, $0xb8;
	[tilespmem:$0x10100] =	vst v63  }
0x80: {  	s28 =	sor.u32 $0x4100, s2  }
0x81: {  	[tilespmem:s28], [sflag:s31] =	stream.indirect_vreg.gather [hbm4b:s12+s3], $0x80, v2, vm0, $0xb8;
	[tilespmem:$0x10100] =	vst v63  }
0x82: {  	s30 =	sor.u32 $0x4900, s2  }
0x83: {  	[tilespmem:s30], [sflag:s31] =	stream.indirect_vreg.gather [hbm4b:s13+s3], $0x80, v2, vm0, $0xb8;
	[tilespmem:$0x10100] =	vst v63  }
0x84: {  	s4 =	sor.u32 $0x5100, s2  }
0x85: {  	[tilespmem:s4], [sflag:s31] =	stream.indirect_vreg.gather [hbm4b:s14+s3], $0x80, v2, vm0, $0xb8;
	[tilespmem:$0x10100] =	vst v63  }
0x86: {  	s20 =	sor.u32 $0x5900, s2;
	s21 =	sor.u32 $0x6100, s2  }
0x87: {  	[tilespmem:s20], [sflag:s31] =	stream.indirect_vreg.gather [hbm4b:s15+s3], $0x80, v2, vm0, $0xb8;
	[tilespmem:$0x10100] =	vst v63  }
0x88: {  	s22 =	simm.s32 $0x1;
	s28 =	sor.u32 $0x6900, s2;
	s30 =	sor.u32 $0x7100, s2  }
0x89: {  	[tilespmem:s21], [sflag:s31] =	stream.indirect_vreg.gather [hbm4b:s16+s3], $0x80, v2, vm0, $0xb8;
	[tilespmem:$0x10100] =	vst v63  }
0x8a: {  	s4 =	sand.u32 $0x1, s22;
	s22 =	sor.u32 $0x7900, s2;
	s2 =	simm.s32 $0x18  }
0x8b: {  	[tilespmem:s28], [sflag:s31] =	stream.indirect_vreg.gather [hbm4b:s17+s3], $0x80, v2, vm0, $0xb8;
	[tilespmem:$0x10100] =	vst v63  }
0x8c: {  	s0 =	sshll.u32 s4, $0xF;
	s20 =	sadd.s32 $0x1000, s23;
	s21 =	simm.s32 $0x2  }
0x8d: {  	[tilespmem:s30], [sflag:s31] =	stream.indirect_vreg.gather [hbm4b:s18+s3], $0x80, v2, vm0, $0xb8;
	[tilespmem:$0x10100] =	vst v63  }
.LBB2_2:
0x8e: {  	[tilespmem:s22], [sflag:s31] =	stream.indirect_vreg.gather [hbm4b:s19+s3], $0x80, v2, vm0, $0xb8;
	[tilespmem:$0x10100] =	vst v63  }
0x8f: {  	s30 =	smov.u32 s21;
	s22 =	smov.u32 s0  }
0x90: {  	s28 =	sadd.s32 $0x1, s21;
	s31 =	sadd.s32 $0x1, s4;
	s4 =	sand.u32 $0x1, s30  }
0x91: {  	p0 =	sne.s32 s21, $0x1D;
	s0 =	sshll.u32 s4, $0xF;
	_ =	swait.ge [sflag:s31], $0x8000  }
0x92: {  	[sflag:s31] =	ssyncset.done $0x0  }
0x93: {  	s21 =	sor.u32 $0x100, s22;
	[sflag:s31] =	ssyncadd.s32 $0xFFFF8000  }
0x94: {  	[hbm4b:s20+s3] =	stream.linear.scatter [tilespmem:s21], [sflag:$0x3], $0x8000, $0x38;
	[tilespmem:$0x10100] =	vst v63  }
0x95: {  	_ =	swait.ge [sflag:s26], $0x8000  }
0x96: {  	[sflag:s26] =	ssyncset.done $0x0  }
0x97: {  	[sflag:s26] =	ssyncadd.s32 $0xFFFF8000  }
0x98: {  	v2 =	vld.msk [tilespmem:s2+$0x0], $0xff;
	_ =	sdelay $0x4  }
0x99: {  	v3 =	vshll.u32 v2, $0x5  }
0x9a: {  	v2 =	vand.u32 $0x7, v2;
	v3 =	vand.u32 $0xFFFFFF00, v3  }
0x9b: {  	v2 =	vor.u32 v2, v3  }
0x9c: {  	v2 =	vperm.xlane v2, v0;
	_ =	sdelay $0x1  }
0x9d: {  	v2 =	vadd.s32 v1, v2;
	_ =	sdelay $0x4  }
0x9e: {  	[tilespmem:s21], [sflag:s31] =	stream.indirect_vreg.gather [hbm4b:s1+s3], $0x80, v2, vm0, $0xb8;
	[tilespmem:$0x10100] =	vst v63  }
0x9f: {  	s21 =	sor.u32 $0x900, s22  }
0xa0: {  	[tilespmem:s21], [sflag:s31] =	stream.indirect_vreg.gather [hbm4b:s5+s3], $0x80, v2, vm0, $0xb8;
	[tilespmem:$0x10100] =	vst v63  }
0xa1: {  	s21 =	sor.u32 $0x1100, s22  }
0xa2: {  	[tilespmem:s21], [sflag:s31] =	stream.indirect_vreg.gather [hbm4b:s6+s3], $0x80, v2, vm0, $0xb8;
	[tilespmem:$0x10100] =	vst v63  }
0xa3: {  	s21 =	sor.u32 $0x1900, s22  }
0xa4: {  	[tilespmem:s21], [sflag:s31] =	stream.indirect_vreg.gather [hbm4b:s7+s3], $0x80, v2, vm0, $0xb8;
	[tilespmem:$0x10100] =	vst v63  }
0xa5: {  	s21 =	sor.u32 $0x2100, s22  }
0xa6: {  	[tilespmem:s21], [sflag:s31] =	stream.indirect_vreg.gather [hbm4b:s8+s3], $0x80, v2, vm0, $0xb8;
	[tilespmem:$0x10100] =	vst v63  }
0xa7: {  	s21 =	sor.u32 $0x2900, s22  }
0xa8: {  	[tilespmem:s21], [sflag:s31] =	stream.indirect_vreg.gather [hbm4b:s9+s3], $0x80, v2, vm0, $0xb8;
	[tilespmem:$0x10100] =	vst v63  }
0xa9: {  	s21 =	sor.u32 $0x3100, s22  }
0xaa: {  	[tilespmem:s21], [sflag:s31] =	stream.indirect_vreg.gather [hbm4b:s10+s3], $0x80, v2, vm0, $0xb8;
	[tilespmem:$0x10100] =	vst v63  }
0xab: {  	s21 =	sor.u32 $0x3900, s22  }
0xac: {  	[tilespmem:s21], [sflag:s31] =	stream.indirect_vreg.gather [hbm4b:s11+s3], $0x80, v2, vm0, $0xb8;
	[tilespmem:$0x10100] =	vst v63  }
0xad: {  	s21 =	sor.u32 $0x4100, s22  }
0xae: {  	[tilespmem:s21], [sflag:s31] =	stream.indirect_vreg.gather [hbm4b:s12+s3], $0x80, v2, vm0, $0xb8;
	[tilespmem:$0x10100] =	vst v63  }
0xaf: {  	s21 =	sor.u32 $0x4900, s22  }
0xb0: {  	[tilespmem:s21], [sflag:s31] =	stream.indirect_vreg.gather [hbm4b:s13+s3], $0x80, v2, vm0, $0xb8;
	[tilespmem:$0x10100] =	vst v63  }
0xb1: {  	s21 =	sor.u32 $0x5100, s22  }
0xb2: {  	[tilespmem:s21], [sflag:s31] =	stream.indirect_vreg.gather [hbm4b:s14+s3], $0x80, v2, vm0, $0xb8;
	[tilespmem:$0x10100] =	vst v63  }
0xb3: {  	s21 =	sor.u32 $0x5900, s22  }
0xb4: {  	[tilespmem:s21], [sflag:s31] =	stream.indirect_vreg.gather [hbm4b:s15+s3], $0x80, v2, vm0, $0xb8;
	[tilespmem:$0x10100] =	vst v63  }
0xb5: {  	s21 =	sor.u32 $0x6100, s22  }
0xb6: {  	[tilespmem:s21], [sflag:s31] =	stream.indirect_vreg.gather [hbm4b:s16+s3], $0x80, v2, vm0, $0xb8;
	[tilespmem:$0x10100] =	vst v63  }
.Ltmp0:
0xb7: {  	s21 =	sor.u32 $0x6900, s22;
	(pc) =	sbr.rel @p0 .LBB2_2-.Ltmp0, $4  }
0xb8: {  	[tilespmem:s21], [sflag:s31] =	stream.indirect_vreg.gather [hbm4b:s17+s3], $0x80, v2, vm0, $0xb8;
	[tilespmem:$0x10100] =	vst v63  }
0xb9: {  	s20 =	sadd.s32 $0x1000, s20;
	s21 =	sor.u32 $0x7100, s22  }
0xba: {  	[tilespmem:s21], [sflag:s31] =	stream.indirect_vreg.gather [hbm4b:s18+s3], $0x80, v2, vm0, $0xb8;
	[tilespmem:$0x10100] =	vst v63  }
0xbb: {  	s2 =	sadd.s32 $0x8, s2;
	s22 =	sor.u32 $0x7900, s22;
	s21 =	smov.u32 s28  }
0xbc: {  	_ =	sdelay $0x3  }
0xbd: {  	[tilespmem:s22], [sflag:s31] =	stream.indirect_vreg.gather [hbm4b:s19+s3], $0x80, v2, vm0, $0xb8;
	[tilespmem:$0x10100] =	vst v63  }
0xbe: {  	s4 =	sadd.s32 $0x1, s4  }
0xbf: {  	_ =	swait.ge [sflag:s4], $0x8000  }
0xc0: {  	[sflag:s4] =	ssyncset.done $0x0  }
0xc1: {  	s21 =	sor.u32 $0x100, s0;
	[sflag:s4] =	ssyncadd.s32 $0xFFFF8000  }
0xc2: {  	[hbm4b:s20+s3] =	stream.linear.scatter [tilespmem:s21], [sflag:$0x3], $0x8000, $0x38;
	[tilespmem:$0x10100] =	vst v63  }
0xc3: {  	_ =	swait.ge [sflag:s26], $0x8000  }
0xc4: {  	[sflag:s26] =	ssyncset.done $0x0  }
0xc5: {  	[sflag:s26] =	ssyncadd.s32 $0xFFFF8000  }
0xc6: {  	v2 =	vld.msk [tilespmem:s2+$0x0], $0xff;
	_ =	sdelay $0x4  }
0xc7: {  	v3 =	vshll.u32 v2, $0x5  }
0xc8: {  	v2 =	vand.u32 $0x7, v2;
	v3 =	vand.u32 $0xFFFFFF00, v3  }
0xc9: {  	v2 =	vor.u32 v2, v3  }
0xca: {  	v2 =	vperm.xlane v2, v0;
	_ =	sdelay $0x1  }
0xcb: {  	v2 =	vadd.s32 v1, v2;
	_ =	sdelay $0x4  }
0xcc: {  	[tilespmem:s21], [sflag:s4] =	stream.indirect_vreg.gather [hbm4b:s1+s3], $0x80, v2, vm0, $0xb8;
	[tilespmem:$0x10100] =	vst v63  }
0xcd: {  	s20 =	sor.u32 $0x900, s0  }
0xce: {  	[tilespmem:s20], [sflag:s4] =	stream.indirect_vreg.gather [hbm4b:s5+s3], $0x80, v2, vm0, $0xb8;
	[tilespmem:$0x10100] =	vst v63  }
0xcf: {  	s21 =	sor.u32 $0x1100, s0  }
0xd0: {  	[tilespmem:s21], [sflag:s4] =	stream.indirect_vreg.gather [hbm4b:s6+s3], $0x80, v2, vm0, $0xb8;
	[tilespmem:$0x10100] =	vst v63  }
0xd1: {  	s22 =	sor.u32 $0x1900, s0  }
0xd2: {  	[tilespmem:s22], [sflag:s4] =	stream.indirect_vreg.gather [hbm4b:s7+s3], $0x80, v2, vm0, $0xb8;
	[tilespmem:$0x10100] =	vst v63  }
0xd3: {  	s28 =	sor.u32 $0x2100, s0  }
0xd4: {  	[tilespmem:s28], [sflag:s4] =	stream.indirect_vreg.gather [hbm4b:s8+s3], $0x80, v2, vm0, $0xb8;
	[tilespmem:$0x10100] =	vst v63  }
0xd5: {  	s30 =	sor.u32 $0x2900, s0  }
0xd6: {  	[tilespmem:s30], [sflag:s4] =	stream.indirect_vreg.gather [hbm4b:s9+s3], $0x80, v2, vm0, $0xb8;
	[tilespmem:$0x10100] =	vst v63  }
0xd7: {  	s31 =	sor.u32 $0x3100, s0  }
0xd8: {  	[tilespmem:s31], [sflag:s4] =	stream.indirect_vreg.gather [hbm4b:s10+s3], $0x80, v2, vm0, $0xb8;
	[tilespmem:$0x10100] =	vst v63  }
0xd9: {  	s20 =	sor.u32 $0x3900, s0  }
0xda: {  	[tilespmem:s20], [sflag:s4] =	stream.indirect_vreg.gather [hbm4b:s11+s3], $0x80, v2, vm0, $0xb8;
	[tilespmem:$0x10100] =	vst v63  }
0xdb: {  	s21 =	sor.u32 $0x4100, s0  }
0xdc: {  	[tilespmem:s21], [sflag:s4] =	stream.indirect_vreg.gather [hbm4b:s12+s3], $0x80, v2, vm0, $0xb8;
	[tilespmem:$0x10100] =	vst v63  }
0xdd: {  	s22 =	sor.u32 $0x4900, s0  }
0xde: {  	[tilespmem:s22], [sflag:s4] =	stream.indirect_vreg.gather [hbm4b:s13+s3], $0x80, v2, vm0, $0xb8;
	[tilespmem:$0x10100] =	vst v63  }
0xdf: {  	s28 =	sor.u32 $0x5100, s0  }
0xe0: {  	[tilespmem:s28], [sflag:s4] =	stream.indirect_vreg.gather [hbm4b:s14+s3], $0x80, v2, vm0, $0xb8;
	[tilespmem:$0x10100] =	vst v63  }
0xe1: {  	s30 =	sor.u32 $0x5900, s0  }
0xe2: {  	[tilespmem:s30], [sflag:s4] =	stream.indirect_vreg.gather [hbm4b:s15+s3], $0x80, v2, vm0, $0xb8;
	[tilespmem:$0x10100] =	vst v63  }
0xe3: {  	s31 =	sor.u32 $0x6100, s0  }
0xe4: {  	[tilespmem:s31], [sflag:s4] =	stream.indirect_vreg.gather [hbm4b:s16+s3], $0x80, v2, vm0, $0xb8;
	[tilespmem:$0x10100] =	vst v63  }
0xe5: {  	s20 =	sor.u32 $0x6900, s0  }
0xe6: {  	[tilespmem:s20], [sflag:s4] =	stream.indirect_vreg.gather [hbm4b:s17+s3], $0x80, v2, vm0, $0xb8;
	[tilespmem:$0x10100] =	vst v63  }
0xe7: {  	s21 =	sor.u32 $0x7100, s0  }
0xe8: {  	[tilespmem:s21], [sflag:s4] =	stream.indirect_vreg.gather [hbm4b:s18+s3], $0x80, v2, vm0, $0xb8;
	[tilespmem:$0x10100] =	vst v63  }
0xe9: {  	s22 =	sor.u32 $0x7900, s0  }
0xea: {  	[tilespmem:s22], [sflag:s4] =	stream.indirect_vreg.gather [hbm4b:s19+s3], $0x80, v2, vm0, $0xb8;
	[tilespmem:$0x10100] =	vst v63  }
0xeb: {  	_ =	swait.ge [sflag:s24], $0x8000  }
0xec: {  	[sflag:s24] =	ssyncset.done $0x0  }
0xed: {  	s20 =	simm.s32 $0x100;
	s28 =	rddreg [dreg:$0x5];
	[sflag:s24] =	ssyncadd.s32 $0xFFFF8000  }
0xee: {  	[hbm4b:s28+s3] =	stream.linear.scatter [tilespmem:s20], [sflag:$0x3], $0x8000, $0x38;
	[tilespmem:$0x10100] =	vst v63  }
0xef: {  	_ =	swait.ge [sflag:s26], $0x8000  }
0xf0: {  	[sflag:s26] =	ssyncset.done $0x0  }
0xf1: {  	[sflag:s26] =	ssyncadd.s32 $0xFFFF8000  }
0xf2: {  	_ =	swait.ge [sflag:s25], $0x8000  }
0xf3: {  	[sflag:s25] =	ssyncset.done $0x0  }
0xf4: {  	s21 =	simm.s32 $0x8100;
	s30 =	rddreg [dreg:$0x6];
	[sflag:s25] =	ssyncadd.s32 $0xFFFF8000  }
0xf5: {  	[hbm4b:s30+s3] =	stream.linear.scatter [tilespmem:s21], [sflag:$0x3], $0x8000, $0x38;
	[tilespmem:$0x10100] =	vst v63  }
0xf6: {  	_ =	swait.ge [sflag:s26], $0x8000  }
0xf7: {  	s29 =	sadd.s32 $0x1, s29;
	s31 =	rddreg [dreg:$0x7]  }
0xf8: {  	p0 =	sne.s32 s29, s31  }
.Ltmp1:
0xf9: {  	_ = 	snop;
	(pc) =	sbr.rel @p0 .LBB2_1-.Ltmp1, $3  }
0xfa: {  	_ =	sdelay $0x1  }
0xfb: {  	[sflag:s26] =	ssyncset.done $0x0  }
0xfc: {  	[sflag:s26] =	ssyncadd.s32 $0xFFFF8000  }
0xfd: {  	_ =	sfence.sel $0x180000  }
0xfe: {  	[bflag:$0x0] =	sbarrier.arrive $0xFFFF  }
0xff: {  	_ =	strace $0x90000047  }
0x100: {  	s0 =	stileid.u32;
	[bflag:$0x2] =	sbarrier.arrive $0xFFFF  }
0x101: {  	p0 =	sne.s32 s0, $0x0;
	s0 =	rddreg [dreg:$0x3]  }
0x102: {  	s0 =	sadd.s32 @!p0 $0x100000, s0  }
0x103: {  	[sflag:s0] =	ssyncadd.tile.s32 @!p0 $0x1;
	_ =	shalt  }
.Lfunc_end2:
_tile_overlayer_lowered:
.L_overlay_start_2:
0x104: {  	(tag) =	ssettag $0x2  }
0x105: {  	s0 =	rddreg [dreg:$0x0];
	s2 =	stileid.u32  }
0x106: {  	s1 =	rddreg [dreg:$0x1];
	p0 =	sne.s32 s2, $0x0  }
0x107: {  	s3 =	rddreg [dreg:$0x2];
	[bflag:$0x3] =	sbarrier.arrive $0xFFFF;
	s2 =	simm.s32 @!p0 $0x1C03  }
0x108: {  	[timem:s3], [sflag:s2] =	dma.local @!p0 [hbm:s0], s1  }
0x109: {  	s0 =	simm.s32 @!p0 $0x3  }
0x10a: {  	_ =	swait.ge @!p0 [sflag:s0], s1  }
0x10b: {  	s1 =	ssub.s32 @!p0 $0x0, s1;
	[sflag:s0] =	ssyncset.done @!p0 $0x0  }
0x10c: {  	[sflag:s0] =	ssyncadd.s32 @!p0 s1  }
0x10d: {  	[bflag:$0x3] =	sbarrier.arrive $0xFFFF  }
0x10e: {  	_ =	shalt  }

</sc_bundles>
